<compile_context>
chip_gen: v7x
topology: tpu7x:2x2x1
jax: 0.10.2.dev20260603
libtpu: 0.0.44.dev20260713+nightly
codegen_flags: <defaults>
</compile_context>

<pallas_src>
import functools

import jax
import jax.numpy as jnp
from jax import lax
from jax.experimental import pallas as pl
from jax.experimental.pallas import tpu as pltpu
from jax.experimental.pallas import tpu_sc as plsc

B = 4096
D = 64
ITEM_VOCAB = 100000
GENRE_VOCAB = 32
N_GENRES = 8


_NC, _NS = 2, 16
_NW = _NC * _NS
_DPW = D // _NW


@functools.cache
def _sc_gather_fn():
    mesh = plsc.VectorSubcoreMesh(core_axis_name="c", subcore_axis_name="s")

    @functools.partial(
        pl.kernel,
        out_type=jax.ShapeDtypeStruct((D, B), jnp.float32),
        mesh=mesh,
        scratch_types=[
            pltpu.VMEM((B,), jnp.int32),
            pltpu.VMEM((B,), jnp.float32),
            pltpu.SemaphoreType.DMA,
        ],
        compiler_params=pltpu.CompilerParams(use_tc_tiling_on_sc=False),
    )
    def _sc_gather(idx_hbm, tableT_hbm, outT_hbm, idx_v, row_v, sem):
        wid = lax.axis_index("s") * _NC + lax.axis_index("c")
        pltpu.sync_copy(idx_hbm, idx_v)
        for j in range(_DPW):
            d = wid * _DPW + j
            pltpu.async_copy(tableT_hbm.at[d].at[idx_v], row_v, sem).wait()
            pltpu.sync_copy(row_v, outT_hbm.at[d])

    return _sc_gather



_BLK = 512


def _tower_body(iembT_ref, genT_ref, contT_ref, gtab_ref, wc_ref, bc_ref,
                w1_ref, b1_ref, gam_ref, bet_ref, w2_ref, b2_ref, outT_ref):
    f32 = jnp.float32
    cdim0 = (((0,), (0,)), ((), ()))
    genT = genT_ref[...]
    vocab_ids = lax.broadcasted_iota(jnp.int32, (GENRE_VOCAB, 1), 0)
    countsT = jnp.zeros((GENRE_VOCAB, _BLK), f32)
    for g in range(N_GENRES):
        row = genT[g:g + 1, :]
        countsT = countsT + ((row == vocab_ids) & (row > 0)).astype(f32)
    g_sumT = lax.dot_general(gtab_ref[...], countsT, cdim0,
                             preferred_element_type=f32)
    denom = jnp.sum(countsT, axis=0, keepdims=True) + 1e-8
    g_embT = g_sumT / denom

    cont_embT = jnp.maximum(
        lax.dot_general(wc_ref[...], contT_ref[...], cdim0,
                        preferred_element_type=f32) + bc_ref[...], 0.0)

    concatT = jnp.concatenate([iembT_ref[...], g_embT, cont_embT], axis=0)
    h = lax.dot_general(w1_ref[...], concatT, cdim0,
                        preferred_element_type=f32) + b1_ref[...]
    mu = jnp.mean(h, axis=0, keepdims=True)
    var = jnp.mean((h - mu) ** 2, axis=0, keepdims=True)
    h = (h - mu) / jnp.sqrt(var + 1e-5) * gam_ref[...] + bet_ref[...]
    h = jnp.maximum(h, 0.0)
    outT = lax.dot_general(w2_ref[...], h, cdim0,
                           preferred_element_type=f32) + b2_ref[...]
    norm = jnp.sqrt(jnp.sum(outT * outT, axis=0, keepdims=True))
    outT_ref[...] = outT / jnp.maximum(norm, 1e-12)


def _tower(iembT, genT, contT, gtab, wc, bc, w1, b1, gam, bet, w2, b2):
    fixed = lambda *_: (0, 0)
    col = lambda i: (0, i)
    return pl.pallas_call(
        _tower_body,
        grid=(B // _BLK,),
        in_specs=[
            pl.BlockSpec((D, _BLK), col),
            pl.BlockSpec((N_GENRES, _BLK), col),
            pl.BlockSpec((3, _BLK), col),
            pl.BlockSpec((GENRE_VOCAB, D), fixed),
            pl.BlockSpec((3, D), fixed),
            pl.BlockSpec((D, 1), fixed),
            pl.BlockSpec((3 * D, 2 * D), fixed),
            pl.BlockSpec((2 * D, 1), fixed),
            pl.BlockSpec((2 * D, 1), fixed),
            pl.BlockSpec((2 * D, 1), fixed),
            pl.BlockSpec((2 * D, D), fixed),
            pl.BlockSpec((D, 1), fixed),
        ],
        out_specs=pl.BlockSpec((D, _BLK), col),
        out_shape=jax.ShapeDtypeStruct((D, B), jnp.float32),
        compiler_params=pltpu.CompilerParams(
            dimension_semantics=("arbitrary",)),
    )(iembT, genT, contT, gtab, wc, bc, w1, b1, gam, bet, w2, b2)


def kernel(item_id, tmdb_genres, release_year, avg_rating, revenue,
           item_table, genre_table, W_cont, b_cont, W1, b1,
           ln_gamma, ln_beta, W2, b2):
    item_id = item_id.astype(jnp.int32)
    iembT = _sc_gather_fn()(item_id, item_table.T)
    contT = jnp.stack([release_year, avg_rating, revenue], axis=0)
    outT = _tower(iembT, tmdb_genres.astype(jnp.int32).T, contT,
                  genre_table, W_cont, b_cont.reshape(D, 1), W1,
                  b1.reshape(2 * D, 1), ln_gamma.reshape(2 * D, 1),
                  ln_beta.reshape(2 * D, 1), W2, b2.reshape(D, 1))
    return outT.T

# --- scband reference (transcript-rebuilt; emitter-appended) ---
"""Pipeline reference for scband-item-tower-28862180229802 (READ-ONLY COPY).

The authoritative reference and input builder live on the scoring server;
editing this copy changes nothing except your own understanding.
"""

import jax, jax.numpy as jnp
import numpy as np

B = 4096
ITEM_VOCAB = 100000
GENRE_VOCAB = 32
N_GENRES = 8
D = 64


def setup_inputs(seed: int = 0) -> dict:
    key = jax.random.key(seed)
    ks = jax.random.split(key, 16)
    item_id = jax.random.randint(ks[0], (B,), 0, ITEM_VOCAB)
    tmdb_genres = jax.random.randint(ks[1], (B, N_GENRES), 0, GENRE_VOCAB)
    release_year = jax.random.uniform(ks[2], (B,), dtype=jnp.float32)
    avg_rating = jax.random.uniform(ks[3], (B,), dtype=jnp.float32)
    revenue = jax.random.normal(ks[4], (B,), dtype=jnp.float32)
    item_table = jax.random.normal(ks[5], (ITEM_VOCAB, D), dtype=jnp.float32) * 0.02
    genre_table = jax.random.normal(ks[6], (GENRE_VOCAB, D), dtype=jnp.float32) * 0.02
    W_cont = jax.random.normal(ks[7], (3, D), dtype=jnp.float32) * (1.0 / np.sqrt(3))
    b_cont = jnp.zeros((D,), dtype=jnp.float32)
    W1 = jax.random.normal(ks[8], (3 * D, 2 * D), dtype=jnp.float32) * (1.0 / np.sqrt(3 * D))
    b1 = jnp.zeros((2 * D,), dtype=jnp.float32)
    ln_gamma = jnp.ones((2 * D,), dtype=jnp.float32)
    ln_beta = jnp.zeros((2 * D,), dtype=jnp.float32)
    W2 = jax.random.normal(ks[9], (2 * D, D), dtype=jnp.float32) * (1.0 / np.sqrt(2 * D))
    b2 = jnp.zeros((D,), dtype=jnp.float32)
    return {"item_id": item_id, "tmdb_genres": tmdb_genres, "release_year": release_year,
            "avg_rating": avg_rating, "revenue": revenue, "item_table": item_table,
            "genre_table": genre_table, "W_cont": W_cont, "b_cont": b_cont,
            "W1": W1, "b1": b1, "ln_gamma": ln_gamma, "ln_beta": ln_beta,
            "W2": W2, "b2": b2}


def reference(item_id, tmdb_genres, release_year, avg_rating, revenue,
              item_table, genre_table, W_cont, b_cont, W1, b1,
              ln_gamma, ln_beta, W2, b2):
    i_emb = jnp.take(item_table, item_id, axis=0)  # [B, D] gather
    g_emb = jnp.take(genre_table, tmdb_genres, axis=0)  # [B, G, D] gather
    genre_mask = (tmdb_genres > 0).astype(jnp.float32)[..., None]  # [B, G, 1]
    g_emb = (g_emb * genre_mask).sum(axis=1) / (genre_mask.sum(axis=1) + 1e-08)
    cont_feats = jnp.stack([release_year, avg_rating, revenue], axis=1)  # [B, 3]
    cont_emb = jax.nn.relu(cont_feats @ W_cont + b_cont)
    concat_emb = jnp.concatenate([i_emb, g_emb, cont_emb], axis=1)  # [B, 3D]
    h = concat_emb @ W1 + b1
    mu = h.mean(axis=-1, keepdims=True)
    var = ((h - mu) ** 2).mean(axis=-1, keepdims=True)
    h = (h - mu) / jnp.sqrt(var + 1e-05) * ln_gamma + ln_beta
    h = jax.nn.relu(h)  # dropout is identity in eval
    out = h @ W2 + b2
    norm = jnp.sqrt((out ** 2).sum(axis=1, keepdims=True))
    return out / jnp.maximum(norm, 1e-12)


if False:  # reference __main__ guard neutralized (emitter)
    inp = setup_inputs()
    y = reference(**inp)
    print(y.shape, y.dtype)

if __name__ == "__main__":
    import jax
    _d = setup_inputs()
    print(jax.jit(kernel)(*tuple(_d.values())))

</pallas_src>

<mosaic_0001>
#map = affine_map<(d0, d1) -> (0)>
#map1 = affine_map<(d0, d1) -> (0, 0)>
module attributes {stable_mosaic.version = 14 : i64} {
  func.func @_sc_gather(%arg0: i32, %arg1: i32, %arg2: memref<4096xi32, #tpu.memory_space<hbm>>, %arg3: memref<64x100000xf32, #tpu.memory_space<hbm>>, %arg4: memref<64x4096xf32, #tpu.memory_space<hbm>>, %arg5: memref<4096xi32, #tpu.memory_space<vmem>>, %arg6: memref<4096xf32, #tpu.memory_space<vmem>>, %arg7: memref<!tpu.dma_semaphore, #tpu.memory_space<semaphore_mem>>) attributes {dimension_semantics = [#tpu.dimension_semantics<core_parallel>, #tpu.dimension_semantics<subcore_parallel>], iteration_bounds = array<i64: 2, 16>, scalar_prefetch = 0 : i64, scratch_operands = 3 : i64, tpu.core_type = #tpu.core_type<sc_vector_subcore>, window_params = [{transform_indices = #map}, {transform_indices = #map1}, {transform_indices = #map1}]} {
    %mul3A = arith.constant 2 : i32
    %mul3A_0 = arith.muli %arg1, %mul3A : i32
    %add3A = arith.addi %mul3A_0, %arg0 : i32
    "tpu.region"() ({
      %run_scoped3A = tpu.sem_alloc : memref<!tpu.dma_semaphore, #tpu.memory_space<semaphore_mem>>
      tpu.enqueue_dma source(%arg2 : memref<4096xi32, #tpu.memory_space<hbm>>) target(%arg5 : memref<4096xi32, #tpu.memory_space<vmem>>) target_semaphore(%run_scoped3A : memref<!tpu.dma_semaphore, #tpu.memory_space<semaphore_mem>>)
      tpu.wait_dma2 semaphore(%run_scoped3A : memref<!tpu.dma_semaphore, #tpu.memory_space<semaphore_mem>>) src(%arg2 : memref<4096xi32, #tpu.memory_space<hbm>>) dst(%arg5 : memref<4096xi32, #tpu.memory_space<vmem>>)
      tpu.yield
    }) : () -> ()
    %mul3A_1 = arith.constant 2 : i32
    %mul3A_2 = arith.muli %add3A, %mul3A_1 : i32
    %add3A_3 = arith.constant 0 : i32
    %add3A_4 = arith.addi %mul3A_2, %add3A_3 : i32
    %dma_start3A = arith.constant 0 : i32
    %dma_start3A_5 = tpu.memref_slice %arg3[%add3A_4, %dma_start3A] : memref<64x100000xf32, #tpu.memory_space<hbm>> -> memref<1x100000xf32, #tpu.memory_space<hbm>>
    %dma_start3A_6 = tpu.memref_squeeze %dma_start3A_5 : memref<1x100000xf32, #tpu.memory_space<hbm>> -> memref<100000xf32, #tpu.memory_space<hbm>>
    %dma_start3A_7 = arith.constant 0 : i32
    %dma_start3A_8 = tpu.memref_slice %dma_start3A_6[%dma_start3A_7] : memref<100000xf32, #tpu.memory_space<hbm>> -> memref<100000xf32, #tpu.memory_space<hbm>>
    tpu.enqueue_indirect_dma source(%dma_start3A_8 : memref<100000xf32, #tpu.memory_space<hbm>>) target(%arg6 : memref<4096xf32, #tpu.memory_space<vmem>>) offsets(%arg5 : memref<4096xi32, #tpu.memory_space<vmem>>) semaphore(%arg7 : memref<!tpu.dma_semaphore, #tpu.memory_space<semaphore_mem>>)
    %dma_wait3A = arith.constant 0 : i32
    %dma_wait3A_9 = tpu.memref_slice %arg3[%add3A_4, %dma_wait3A] : memref<64x100000xf32, #tpu.memory_space<hbm>> -> memref<1x100000xf32, #tpu.memory_space<hbm>>
    %dma_wait3A_10 = tpu.memref_squeeze %dma_wait3A_9 : memref<1x100000xf32, #tpu.memory_space<hbm>> -> memref<100000xf32, #tpu.memory_space<hbm>>
    %dma_wait3A_11 = arith.constant 0 : i32
    %dma_wait3A_12 = tpu.memref_slice %dma_wait3A_10[%dma_wait3A_11] : memref<100000xf32, #tpu.memory_space<hbm>> -> memref<100000xf32, #tpu.memory_space<hbm>>
    tpu.wait_indirect_dma semaphore(%arg7 : memref<!tpu.dma_semaphore, #tpu.memory_space<semaphore_mem>>) src(%dma_wait3A_12 : memref<100000xf32, #tpu.memory_space<hbm>>) dst(%arg6 : memref<4096xf32, #tpu.memory_space<vmem>>)
    "tpu.region"() ({
      %run_scoped3A = tpu.sem_alloc : memref<!tpu.dma_semaphore, #tpu.memory_space<semaphore_mem>>
      %dma_start3A_27 = arith.constant 0 : i32
      %dma_start3A_28 = tpu.memref_slice %arg4[%add3A_4, %dma_start3A_27] : memref<64x4096xf32, #tpu.memory_space<hbm>> -> memref<1x4096xf32, #tpu.memory_space<hbm>>
      %dma_start3A_29 = tpu.memref_squeeze %dma_start3A_28 : memref<1x4096xf32, #tpu.memory_space<hbm>> -> memref<4096xf32, #tpu.memory_space<hbm>>
      %dma_start3A_30 = arith.constant 0 : i32
      %dma_start3A_31 = tpu.memref_slice %arg4[%add3A_4, %dma_start3A_30] : memref<64x4096xf32, #tpu.memory_space<hbm>> -> memref<1x4096xf32, #tpu.memory_space<hbm>>
      %dma_start3A_32 = tpu.memref_squeeze %dma_start3A_31 : memref<1x4096xf32, #tpu.memory_space<hbm>> -> memref<4096xf32, #tpu.memory_space<hbm>>
      tpu.enqueue_dma source(%arg6 : memref<4096xf32, #tpu.memory_space<vmem>>) target(%dma_start3A_32 : memref<4096xf32, #tpu.memory_space<hbm>>) target_semaphore(%run_scoped3A : memref<!tpu.dma_semaphore, #tpu.memory_space<semaphore_mem>>)
      %dma_wait3A_33 = arith.constant 0 : i32
      %dma_wait3A_34 = tpu.memref_slice %arg4[%add3A_4, %dma_wait3A_33] : memref<64x4096xf32, #tpu.memory_space<hbm>> -> memref<1x4096xf32, #tpu.memory_space<hbm>>
      %dma_wait3A_35 = tpu.memref_squeeze %dma_wait3A_34 : memref<1x4096xf32, #tpu.memory_space<hbm>> -> memref<4096xf32, #tpu.memory_space<hbm>>
      %dma_wait3A_36 = arith.constant 0 : i32
      %dma_wait3A_37 = tpu.memref_slice %arg4[%add3A_4, %dma_wait3A_36] : memref<64x4096xf32, #tpu.memory_space<hbm>> -> memref<1x4096xf32, #tpu.memory_space<hbm>>
      %dma_wait3A_38 = tpu.memref_squeeze %dma_wait3A_37 : memref<1x4096xf32, #tpu.memory_space<hbm>> -> memref<4096xf32, #tpu.memory_space<hbm>>
      tpu.wait_dma2 semaphore(%run_scoped3A : memref<!tpu.dma_semaphore, #tpu.memory_space<semaphore_mem>>) src(%arg6 : memref<4096xf32, #tpu.memory_space<vmem>>) dst(%dma_wait3A_38 : memref<4096xf32, #tpu.memory_space<hbm>>)
      tpu.yield
    }) : () -> ()
    %mul3A_13 = arith.constant 2 : i32
    %mul3A_14 = arith.muli %add3A, %mul3A_13 : i32
    %add3A_15 = arith.constant 1 : i32
    %add3A_16 = arith.addi %mul3A_14, %add3A_15 : i32
    %dma_start3A_17 = arith.constant 0 : i32
    %dma_start3A_18 = tpu.memref_slice %arg3[%add3A_16, %dma_start3A_17] : memref<64x100000xf32, #tpu.memory_space<hbm>> -> memref<1x100000xf32, #tpu.memory_space<hbm>>
    %dma_start3A_19 = tpu.memref_squeeze %dma_start3A_18 : memref<1x100000xf32, #tpu.memory_space<hbm>> -> memref<100000xf32, #tpu.memory_space<hbm>>
    %dma_start3A_20 = arith.constant 0 : i32
    %dma_start3A_21 = tpu.memref_slice %dma_start3A_19[%dma_start3A_20] : memref<100000xf32, #tpu.memory_space<hbm>> -> memref<100000xf32, #tpu.memory_space<hbm>>
    tpu.enqueue_indirect_dma source(%dma_start3A_21 : memref<100000xf32, #tpu.memory_space<hbm>>) target(%arg6 : memref<4096xf32, #tpu.memory_space<vmem>>) offsets(%arg5 : memref<4096xi32, #tpu.memory_space<vmem>>) semaphore(%arg7 : memref<!tpu.dma_semaphore, #tpu.memory_space<semaphore_mem>>)
    %dma_wait3A_22 = arith.constant 0 : i32
    %dma_wait3A_23 = tpu.memref_slice %arg3[%add3A_16, %dma_wait3A_22] : memref<64x100000xf32, #tpu.memory_space<hbm>> -> memref<1x100000xf32, #tpu.memory_space<hbm>>
    %dma_wait3A_24 = tpu.memref_squeeze %dma_wait3A_23 : memref<1x100000xf32, #tpu.memory_space<hbm>> -> memref<100000xf32, #tpu.memory_space<hbm>>
    %dma_wait3A_25 = arith.constant 0 : i32
    %dma_wait3A_26 = tpu.memref_slice %dma_wait3A_24[%dma_wait3A_25] : memref<100000xf32, #tpu.memory_space<hbm>> -> memref<100000xf32, #tpu.memory_space<hbm>>
    tpu.wait_indirect_dma semaphore(%arg7 : memref<!tpu.dma_semaphore, #tpu.memory_space<semaphore_mem>>) src(%dma_wait3A_26 : memref<100000xf32, #tpu.memory_space<hbm>>) dst(%arg6 : memref<4096xf32, #tpu.memory_space<vmem>>)
    "tpu.region"() ({
      %run_scoped3A = tpu.sem_alloc : memref<!tpu.dma_semaphore, #tpu.memory_space<semaphore_mem>>
      %dma_start3A_27 = arith.constant 0 : i32
      %dma_start3A_28 = tpu.memref_slice %arg4[%add3A_16, %dma_start3A_27] : memref<64x4096xf32, #tpu.memory_space<hbm>> -> memref<1x4096xf32, #tpu.memory_space<hbm>>
      %dma_start3A_29 = tpu.memref_squeeze %dma_start3A_28 : memref<1x4096xf32, #tpu.memory_space<hbm>> -> memref<4096xf32, #tpu.memory_space<hbm>>
      %dma_start3A_30 = arith.constant 0 : i32
      %dma_start3A_31 = tpu.memref_slice %arg4[%add3A_16, %dma_start3A_30] : memref<64x4096xf32, #tpu.memory_space<hbm>> -> memref<1x4096xf32, #tpu.memory_space<hbm>>
      %dma_start3A_32 = tpu.memref_squeeze %dma_start3A_31 : memref<1x4096xf32, #tpu.memory_space<hbm>> -> memref<4096xf32, #tpu.memory_space<hbm>>
      tpu.enqueue_dma source(%arg6 : memref<4096xf32, #tpu.memory_space<vmem>>) target(%dma_start3A_32 : memref<4096xf32, #tpu.memory_space<hbm>>) target_semaphore(%run_scoped3A : memref<!tpu.dma_semaphore, #tpu.memory_space<semaphore_mem>>)
      %dma_wait3A_33 = arith.constant 0 : i32
      %dma_wait3A_34 = tpu.memref_slice %arg4[%add3A_16, %dma_wait3A_33] : memref<64x4096xf32, #tpu.memory_space<hbm>> -> memref<1x4096xf32, #tpu.memory_space<hbm>>
      %dma_wait3A_35 = tpu.memref_squeeze %dma_wait3A_34 : memref<1x4096xf32, #tpu.memory_space<hbm>> -> memref<4096xf32, #tpu.memory_space<hbm>>
      %dma_wait3A_36 = arith.constant 0 : i32
      %dma_wait3A_37 = tpu.memref_slice %arg4[%add3A_16, %dma_wait3A_36] : memref<64x4096xf32, #tpu.memory_space<hbm>> -> memref<1x4096xf32, #tpu.memory_space<hbm>>
      %dma_wait3A_38 = tpu.memref_squeeze %dma_wait3A_37 : memref<1x4096xf32, #tpu.memory_space<hbm>> -> memref<4096xf32, #tpu.memory_space<hbm>>
      tpu.wait_dma2 semaphore(%run_scoped3A : memref<!tpu.dma_semaphore, #tpu.memory_space<semaphore_mem>>) src(%arg6 : memref<4096xf32, #tpu.memory_space<vmem>>) dst(%dma_wait3A_38 : memref<4096xf32, #tpu.memory_space<hbm>>)
      tpu.yield
    }) : () -> ()
    return
  }
}

module attributes {stable_mosaic.version = 14 : i64} {
  func.func @_tower_body(%arg0: i32, %arg1: memref<64x512xf32, #tpu.memory_space<vmem>>, %arg2: memref<8x512xi32, #tpu.memory_space<vmem>>, %arg3: memref<3x512xf32, #tpu.memory_space<vmem>>, %arg4: memref<32x64xf32, #tpu.memory_space<vmem>>, %arg5: memref<3x64xf32, #tpu.memory_space<vmem>>, %arg6: memref<64x1xf32, #tpu.memory_space<vmem>>, %arg7: memref<192x128xf32, #tpu.memory_space<vmem>>, %arg8: memref<128x1xf32, #tpu.memory_space<vmem>>, %arg9: memref<128x1xf32, #tpu.memory_space<vmem>>, %arg10: memref<128x1xf32, #tpu.memory_space<vmem>>, %arg11: memref<128x64xf32, #tpu.memory_space<vmem>>, %arg12: memref<64x1xf32, #tpu.memory_space<vmem>>, %arg13: memref<64x512xf32, #tpu.memory_space<vmem>>) attributes {dimension_semantics = [#tpu.dimension_semantics<arbitrary>], iteration_bounds = array<i64: 8>, scalar_prefetch = 0 : i64, scratch_operands = 0 : i64, tpu.core_type = #tpu.core_type<tc>, window_params = [{transform_indices = @transform_0, window_bounds = array<i64: 64, 512>}, {transform_indices = @transform_1, window_bounds = array<i64: 8, 512>}, {transform_indices = @transform_2, window_bounds = array<i64: 3, 512>}, {pipeline_mode = #tpu.pipeline_mode<synchronous>, transform_indices = @transform_3, window_bounds = array<i64: 32, 64>}, {pipeline_mode = #tpu.pipeline_mode<synchronous>, transform_indices = @transform_4, window_bounds = array<i64: 3, 64>}, {pipeline_mode = #tpu.pipeline_mode<synchronous>, transform_indices = @transform_5, window_bounds = array<i64: 64, 1>}, {pipeline_mode = #tpu.pipeline_mode<synchronous>, transform_indices = @transform_6, window_bounds = array<i64: 192, 128>}, {pipeline_mode = #tpu.pipeline_mode<synchronous>, transform_indices = @transform_7, window_bounds = array<i64: 128, 1>}, {pipeline_mode = #tpu.pipeline_mode<synchronous>, transform_indices = @transform_8, window_bounds = array<i64: 128, 1>}, {pipeline_mode = #tpu.pipeline_mode<synchronous>, transform_indices = @transform_9, window_bounds = array<i64: 128, 1>}, {pipeline_mode = #tpu.pipeline_mode<synchronous>, transform_indices = @transform_10, window_bounds = array<i64: 128, 64>}, {pipeline_mode = #tpu.pipeline_mode<synchronous>, transform_indices = @transform_11, window_bounds = array<i64: 64, 1>}, {transform_indices = @transform_12, window_bounds = array<i64: 64, 512>}]} {
    %get3A = arith.constant 0 : index
    %get3A_0 = arith.constant 0 : index
    %get3A_1 = vector.load %arg2[%get3A, %get3A_0] : memref<8x512xi32, #tpu.memory_space<vmem>>, vector<8x512xi32>
    %iota3A = tpu.iota {dimensions = array<i32: 0>} : vector<32x1xi32>
    %broadcast_in_dim3A = arith.constant 0.000000e+00 : f32
    %broadcast_in_dim3A_2 = vector.broadcast %broadcast_in_dim3A : f32 to vector<32x512xf32>
    %slice3A = vector.extract_strided_slice %get3A_1 {offsets = [0, 0], sizes = [1, 512], strides = [1, 1]} : vector<8x512xi32> to vector<1x512xi32>
    %eq3A = vector.broadcast %slice3A : vector<1x512xi32> to vector<32x512xi32>
    %eq3A_3 = vector.broadcast %iota3A : vector<32x1xi32> to vector<32x512xi32>
    %eq3A_4 = arith.cmpi eq, %eq3A, %eq3A_3 : vector<32x512xi32>
    %gt3A = arith.constant 0 : i32
    %gt3A_5 = vector.broadcast %gt3A : i32 to vector<1x512xi32>
    %gt3A_6 = arith.cmpi sgt, %slice3A, %gt3A_5 : vector<1x512xi32>
    %and3A = vector.broadcast %gt3A_6 : vector<1x512xi1> to vector<32x512xi1>
    %and3A_7 = arith.andi %eq3A_4, %and3A : vector<32x512xi1>
    %convert_element_type3A = arith.extui %and3A_7 : vector<32x512xi1> to vector<32x512xi32>
    %convert_element_type3A_8 = arith.sitofp %convert_element_type3A : vector<32x512xi32> to vector<32x512xf32>
    %add3A = arith.addf %broadcast_in_dim3A_2, %convert_element_type3A_8 : vector<32x512xf32>
    %slice3A_9 = vector.extract_strided_slice %get3A_1 {offsets = [1, 0], sizes = [1, 512], strides = [1, 1]} : vector<8x512xi32> to vector<1x512xi32>
    %eq3A_10 = vector.broadcast %slice3A_9 : vector<1x512xi32> to vector<32x512xi32>
    %eq3A_11 = vector.broadcast %iota3A : vector<32x1xi32> to vector<32x512xi32>
    %eq3A_12 = arith.cmpi eq, %eq3A_10, %eq3A_11 : vector<32x512xi32>
    %gt3A_13 = arith.constant 0 : i32
    %gt3A_14 = vector.broadcast %gt3A_13 : i32 to vector<1x512xi32>
    %gt3A_15 = arith.cmpi sgt, %slice3A_9, %gt3A_14 : vector<1x512xi32>
    %and3A_16 = vector.broadcast %gt3A_15 : vector<1x512xi1> to vector<32x512xi1>
    %and3A_17 = arith.andi %eq3A_12, %and3A_16 : vector<32x512xi1>
    %convert_element_type3A_18 = arith.extui %and3A_17 : vector<32x512xi1> to vector<32x512xi32>
    %convert_element_type3A_19 = arith.sitofp %convert_element_type3A_18 : vector<32x512xi32> to vector<32x512xf32>
    %add3A_20 = arith.addf %add3A, %convert_element_type3A_19 : vector<32x512xf32>
    %slice3A_21 = vector.extract_strided_slice %get3A_1 {offsets = [2, 0], sizes = [1, 512], strides = [1, 1]} : vector<8x512xi32> to vector<1x512xi32>
    %eq3A_22 = vector.broadcast %slice3A_21 : vector<1x512xi32> to vector<32x512xi32>
    %eq3A_23 = vector.broadcast %iota3A : vector<32x1xi32> to vector<32x512xi32>
    %eq3A_24 = arith.cmpi eq, %eq3A_22, %eq3A_23 : vector<32x512xi32>
    %gt3A_25 = arith.constant 0 : i32
    %gt3A_26 = vector.broadcast %gt3A_25 : i32 to vector<1x512xi32>
    %gt3A_27 = arith.cmpi sgt, %slice3A_21, %gt3A_26 : vector<1x512xi32>
    %and3A_28 = vector.broadcast %gt3A_27 : vector<1x512xi1> to vector<32x512xi1>
    %and3A_29 = arith.andi %eq3A_24, %and3A_28 : vector<32x512xi1>
    %convert_element_type3A_30 = arith.extui %and3A_29 : vector<32x512xi1> to vector<32x512xi32>
    %convert_element_type3A_31 = arith.sitofp %convert_element_type3A_30 : vector<32x512xi32> to vector<32x512xf32>
    %add3A_32 = arith.addf %add3A_20, %convert_element_type3A_31 : vector<32x512xf32>
    %slice3A_33 = vector.extract_strided_slice %get3A_1 {offsets = [3, 0], sizes = [1, 512], strides = [1, 1]} : vector<8x512xi32> to vector<1x512xi32>
    %eq3A_34 = vector.broadcast %slice3A_33 : vector<1x512xi32> to vector<32x512xi32>
    %eq3A_35 = vector.broadcast %iota3A : vector<32x1xi32> to vector<32x512xi32>
    %eq3A_36 = arith.cmpi eq, %eq3A_34, %eq3A_35 : vector<32x512xi32>
    %gt3A_37 = arith.constant 0 : i32
    %gt3A_38 = vector.broadcast %gt3A_37 : i32 to vector<1x512xi32>
    %gt3A_39 = arith.cmpi sgt, %slice3A_33, %gt3A_38 : vector<1x512xi32>
    %and3A_40 = vector.broadcast %gt3A_39 : vector<1x512xi1> to vector<32x512xi1>
    %and3A_41 = arith.andi %eq3A_36, %and3A_40 : vector<32x512xi1>
    %convert_element_type3A_42 = arith.extui %and3A_41 : vector<32x512xi1> to vector<32x512xi32>
    %convert_element_type3A_43 = arith.sitofp %convert_element_type3A_42 : vector<32x512xi32> to vector<32x512xf32>
    %add3A_44 = arith.addf %add3A_32, %convert_element_type3A_43 : vector<32x512xf32>
    %slice3A_45 = vector.extract_strided_slice %get3A_1 {offsets = [4, 0], sizes = [1, 512], strides = [1, 1]} : vector<8x512xi32> to vector<1x512xi32>
    %eq3A_46 = vector.broadcast %slice3A_45 : vector<1x512xi32> to vector<32x512xi32>
    %eq3A_47 = vector.broadcast %iota3A : vector<32x1xi32> to vector<32x512xi32>
    %eq3A_48 = arith.cmpi eq, %eq3A_46, %eq3A_47 : vector<32x512xi32>
    %gt3A_49 = arith.constant 0 : i32
    %gt3A_50 = vector.broadcast %gt3A_49 : i32 to vector<1x512xi32>
    %gt3A_51 = arith.cmpi sgt, %slice3A_45, %gt3A_50 : vector<1x512xi32>
    %and3A_52 = vector.broadcast %gt3A_51 : vector<1x512xi1> to vector<32x512xi1>
    %and3A_53 = arith.andi %eq3A_48, %and3A_52 : vector<32x512xi1>
    %convert_element_type3A_54 = arith.extui %and3A_53 : vector<32x512xi1> to vector<32x512xi32>
    %convert_element_type3A_55 = arith.sitofp %convert_element_type3A_54 : vector<32x512xi32> to vector<32x512xf32>
    %add3A_56 = arith.addf %add3A_44, %convert_element_type3A_55 : vector<32x512xf32>
    %slice3A_57 = vector.extract_strided_slice %get3A_1 {offsets = [5, 0], sizes = [1, 512], strides = [1, 1]} : vector<8x512xi32> to vector<1x512xi32>
    %eq3A_58 = vector.broadcast %slice3A_57 : vector<1x512xi32> to vector<32x512xi32>
    %eq3A_59 = vector.broadcast %iota3A : vector<32x1xi32> to vector<32x512xi32>
    %eq3A_60 = arith.cmpi eq, %eq3A_58, %eq3A_59 : vector<32x512xi32>
    %gt3A_61 = arith.constant 0 : i32
    %gt3A_62 = vector.broadcast %gt3A_61 : i32 to vector<1x512xi32>
    %gt3A_63 = arith.cmpi sgt, %slice3A_57, %gt3A_62 : vector<1x512xi32>
    %and3A_64 = vector.broadcast %gt3A_63 : vector<1x512xi1> to vector<32x512xi1>
    %and3A_65 = arith.andi %eq3A_60, %and3A_64 : vector<32x512xi1>
    %convert_element_type3A_66 = arith.extui %and3A_65 : vector<32x512xi1> to vector<32x512xi32>
    %convert_element_type3A_67 = arith.sitofp %convert_element_type3A_66 : vector<32x512xi32> to vector<32x512xf32>
    %add3A_68 = arith.addf %add3A_56, %convert_element_type3A_67 : vector<32x512xf32>
    %slice3A_69 = vector.extract_strided_slice %get3A_1 {offsets = [6, 0], sizes = [1, 512], strides = [1, 1]} : vector<8x512xi32> to vector<1x512xi32>
    %eq3A_70 = vector.broadcast %slice3A_69 : vector<1x512xi32> to vector<32x512xi32>
    %eq3A_71 = vector.broadcast %iota3A : vector<32x1xi32> to vector<32x512xi32>
    %eq3A_72 = arith.cmpi eq, %eq3A_70, %eq3A_71 : vector<32x512xi32>
    %gt3A_73 = arith.constant 0 : i32
    %gt3A_74 = vector.broadcast %gt3A_73 : i32 to vector<1x512xi32>
    %gt3A_75 = arith.cmpi sgt, %slice3A_69, %gt3A_74 : vector<1x512xi32>
    %and3A_76 = vector.broadcast %gt3A_75 : vector<1x512xi1> to vector<32x512xi1>
    %and3A_77 = arith.andi %eq3A_72, %and3A_76 : vector<32x512xi1>
    %convert_element_type3A_78 = arith.extui %and3A_77 : vector<32x512xi1> to vector<32x512xi32>
    %convert_element_type3A_79 = arith.sitofp %convert_element_type3A_78 : vector<32x512xi32> to vector<32x512xf32>
    %add3A_80 = arith.addf %add3A_68, %convert_element_type3A_79 : vector<32x512xf32>
    %slice3A_81 = vector.extract_strided_slice %get3A_1 {offsets = [7, 0], sizes = [1, 512], strides = [1, 1]} : vector<8x512xi32> to vector<1x512xi32>
    %eq3A_82 = vector.broadcast %slice3A_81 : vector<1x512xi32> to vector<32x512xi32>
    %eq3A_83 = vector.broadcast %iota3A : vector<32x1xi32> to vector<32x512xi32>
    %eq3A_84 = arith.cmpi eq, %eq3A_82, %eq3A_83 : vector<32x512xi32>
    %gt3A_85 = arith.constant 0 : i32
    %gt3A_86 = vector.broadcast %gt3A_85 : i32 to vector<1x512xi32>
    %gt3A_87 = arith.cmpi sgt, %slice3A_81, %gt3A_86 : vector<1x512xi32>
    %and3A_88 = vector.broadcast %gt3A_87 : vector<1x512xi1> to vector<32x512xi1>
    %and3A_89 = arith.andi %eq3A_84, %and3A_88 : vector<32x512xi1>
    %convert_element_type3A_90 = arith.extui %and3A_89 : vector<32x512xi1> to vector<32x512xi32>
    %convert_element_type3A_91 = arith.sitofp %convert_element_type3A_90 : vector<32x512xi32> to vector<32x512xf32>
    %add3A_92 = arith.addf %add3A_80, %convert_element_type3A_91 : vector<32x512xf32>
    %get3A_93 = arith.constant 0 : index
    %get3A_94 = arith.constant 0 : index
    %get3A_95 = vector.load %arg4[%get3A_93, %get3A_94] : memref<32x64xf32, #tpu.memory_space<vmem>>, vector<32x64xf32>
    %dot_general3A = arith.constant dense<0.000000e+00> : vector<64x512xf32>
    %dot_general3A_96 = tpu.matmul %get3A_95, %add3A_92, %dot_general3A {dimension_numbers = #tpu.dot_dimension_numbers<[0], [0], [1], [1], [0, 1, 1, 1], [], []>, transpose_lhs_hint = false} : vector<32x64xf32>, vector<32x512xf32>, vector<64x512xf32> -> vector<64x512xf32>
    %reduce_sum3A = arith.constant dense<0.000000e+00> : vector<512xf32>
    %reduce_sum3A_97 = vector.multi_reduction <add>, %add3A_92, %reduce_sum3A [0] : vector<32x512xf32> to vector<512xf32>
    %broadcast_in_dim3A_98 = vector.shape_cast %reduce_sum3A_97 : vector<512xf32> to vector<1x512xf32>
    %add3A_99 = arith.constant 9.99999993E-9 : f32
    %add3A_100 = vector.broadcast %add3A_99 : f32 to vector<1x512xf32>
    %add3A_101 = arith.addf %broadcast_in_dim3A_98, %add3A_100 : vector<1x512xf32>
    %div3A = vector.broadcast %add3A_101 : vector<1x512xf32> to vector<64x512xf32>
    %div3A_102 = arith.divf %dot_general3A_96, %div3A : vector<64x512xf32>
    %get3A_103 = arith.constant 0 : index
    %get3A_104 = arith.constant 0 : index
    %get3A_105 = vector.load %arg5[%get3A_103, %get3A_104] : memref<3x64xf32, #tpu.memory_space<vmem>>, vector<3x64xf32>
    %get3A_106 = arith.constant 0 : index
    %get3A_107 = arith.constant 0 : index
    %get3A_108 = vector.load %arg3[%get3A_106, %get3A_107] : memref<3x512xf32, #tpu.memory_space<vmem>>, vector<3x512xf32>
    %dot_general3A_109 = arith.constant dense<0.000000e+00> : vector<64x512xf32>
    %dot_general3A_110 = tpu.matmul %get3A_105, %get3A_108, %dot_general3A_109 {dimension_numbers = #tpu.dot_dimension_numbers<[0], [0], [1], [1], [0, 1, 1, 1], [], []>, transpose_lhs_hint = false} : vector<3x64xf32>, vector<3x512xf32>, vector<64x512xf32> -> vector<64x512xf32>
    %get3A_111 = arith.constant 0 : index
    %get3A_112 = arith.constant 0 : index
    %get3A_113 = vector.load %arg6[%get3A_111, %get3A_112] : memref<64x1xf32, #tpu.memory_space<vmem>>, vector<64x1xf32>
    %add3A_114 = vector.broadcast %get3A_113 : vector<64x1xf32> to vector<64x512xf32>
    %add3A_115 = arith.addf %dot_general3A_110, %add3A_114 : vector<64x512xf32>
    %max3A = arith.constant 0.000000e+00 : f32
    %max3A_116 = vector.broadcast %max3A : f32 to vector<64x512xf32>
    %max3A_117 = arith.maximumf %add3A_115, %max3A_116 : vector<64x512xf32>
    %get3A_118 = arith.constant 0 : index
    %get3A_119 = arith.constant 0 : index
    %get3A_120 = vector.load %arg1[%get3A_118, %get3A_119] : memref<64x512xf32, #tpu.memory_space<vmem>>, vector<64x512xf32>
    %concatenate3A = tpu.concatenate %get3A_120, %div3A_102, %max3A_117 in 0 : vector<64x512xf32>, vector<64x512xf32>, vector<64x512xf32> -> vector<192x512xf32>
    %get3A_121 = arith.constant 0 : index
    %get3A_122 = arith.constant 0 : index
    %get3A_123 = vector.load %arg7[%get3A_121, %get3A_122] : memref<192x128xf32, #tpu.memory_space<vmem>>, vector<192x128xf32>
    %dot_general3A_124 = arith.constant dense<0.000000e+00> : vector<128x512xf32>
    %dot_general3A_125 = tpu.matmul %get3A_123, %concatenate3A, %dot_general3A_124 {dimension_numbers = #tpu.dot_dimension_numbers<[0], [0], [1], [1], [0, 1, 1, 1], [], []>, transpose_lhs_hint = false} : vector<192x128xf32>, vector<192x512xf32>, vector<128x512xf32> -> vector<128x512xf32>
    %get3A_126 = arith.constant 0 : index
    %get3A_127 = arith.constant 0 : index
    %get3A_128 = vector.load %arg8[%get3A_126, %get3A_127] : memref<128x1xf32, #tpu.memory_space<vmem>>, vector<128x1xf32>
    %add3A_129 = vector.broadcast %get3A_128 : vector<128x1xf32> to vector<128x512xf32>
    %add3A_130 = arith.addf %dot_general3A_125, %add3A_129 : vector<128x512xf32>
    %reduce_sum3A_131 = arith.constant dense<0.000000e+00> : vector<512xf32>
    %reduce_sum3A_132 = vector.multi_reduction <add>, %add3A_130, %reduce_sum3A_131 [0] : vector<128x512xf32> to vector<512xf32>
    %broadcast_in_dim3A_133 = vector.shape_cast %reduce_sum3A_132 : vector<512xf32> to vector<1x512xf32>
    %div3A_134 = arith.constant 1.280000e+02 : f32
    %div3A_135 = vector.broadcast %div3A_134 : f32 to vector<1x512xf32>
    %div3A_136 = arith.divf %broadcast_in_dim3A_133, %div3A_135 : vector<1x512xf32>
    %sub3A = vector.broadcast %div3A_136 : vector<1x512xf32> to vector<128x512xf32>
    %sub3A_137 = arith.subf %add3A_130, %sub3A : vector<128x512xf32>
    %integer_pow3A = arith.mulf %sub3A_137, %sub3A_137 : vector<128x512xf32>
    %reduce_sum3A_138 = arith.constant dense<0.000000e+00> : vector<512xf32>
    %reduce_sum3A_139 = vector.multi_reduction <add>, %integer_pow3A, %reduce_sum3A_138 [0] : vector<128x512xf32> to vector<512xf32>
    %broadcast_in_dim3A_140 = vector.shape_cast %reduce_sum3A_139 : vector<512xf32> to vector<1x512xf32>
    %div3A_141 = arith.constant 1.280000e+02 : f32
    %div3A_142 = vector.broadcast %div3A_141 : f32 to vector<1x512xf32>
    %div3A_143 = arith.divf %broadcast_in_dim3A_140, %div3A_142 : vector<1x512xf32>
    %sub3A_144 = vector.broadcast %div3A_136 : vector<1x512xf32> to vector<128x512xf32>
    %sub3A_145 = arith.subf %add3A_130, %sub3A_144 : vector<128x512xf32>
    %add3A_146 = arith.constant 9.99999974E-6 : f32
    %add3A_147 = vector.broadcast %add3A_146 : f32 to vector<1x512xf32>
    %add3A_148 = arith.addf %div3A_143, %add3A_147 : vector<1x512xf32>
    %sqrt3A = math.sqrt %add3A_148 : vector<1x512xf32>
    %div3A_149 = vector.broadcast %sqrt3A : vector<1x512xf32> to vector<128x512xf32>
    %div3A_150 = arith.divf %sub3A_145, %div3A_149 : vector<128x512xf32>
    %get3A_151 = arith.constant 0 : index
    %get3A_152 = arith.constant 0 : index
    %get3A_153 = vector.load %arg9[%get3A_151, %get3A_152] : memref<128x1xf32, #tpu.memory_space<vmem>>, vector<128x1xf32>
    %mul3A = vector.broadcast %get3A_153 : vector<128x1xf32> to vector<128x512xf32>
    %mul3A_154 = arith.mulf %div3A_150, %mul3A : vector<128x512xf32>
    %get3A_155 = arith.constant 0 : index
    %get3A_156 = arith.constant 0 : index
    %get3A_157 = vector.load %arg10[%get3A_155, %get3A_156] : memref<128x1xf32, #tpu.memory_space<vmem>>, vector<128x1xf32>
    %add3A_158 = vector.broadcast %get3A_157 : vector<128x1xf32> to vector<128x512xf32>
    %add3A_159 = arith.addf %mul3A_154, %add3A_158 : vector<128x512xf32>
    %max3A_160 = arith.constant 0.000000e+00 : f32
    %max3A_161 = vector.broadcast %max3A_160 : f32 to vector<128x512xf32>
    %max3A_162 = arith.maximumf %add3A_159, %max3A_161 : vector<128x512xf32>
    %get3A_163 = arith.constant 0 : index
    %get3A_164 = arith.constant 0 : index
    %get3A_165 = vector.load %arg11[%get3A_163, %get3A_164] : memref<128x64xf32, #tpu.memory_space<vmem>>, vector<128x64xf32>
    %dot_general3A_166 = arith.constant dense<0.000000e+00> : vector<64x512xf32>
    %dot_general3A_167 = tpu.matmul %get3A_165, %max3A_162, %dot_general3A_166 {dimension_numbers = #tpu.dot_dimension_numbers<[0], [0], [1], [1], [0, 1, 1, 1], [], []>, transpose_lhs_hint = false} : vector<128x64xf32>, vector<128x512xf32>, vector<64x512xf32> -> vector<64x512xf32>
    %get3A_168 = arith.constant 0 : index
    %get3A_169 = arith.constant 0 : index
    %get3A_170 = vector.load %arg12[%get3A_168, %get3A_169] : memref<64x1xf32, #tpu.memory_space<vmem>>, vector<64x1xf32>
    %add3A_171 = vector.broadcast %get3A_170 : vector<64x1xf32> to vector<64x512xf32>
    %add3A_172 = arith.addf %dot_general3A_167, %add3A_171 : vector<64x512xf32>
    %mul3A_173 = arith.mulf %add3A_172, %add3A_172 : vector<64x512xf32>
    %reduce_sum3A_174 = arith.constant dense<0.000000e+00> : vector<512xf32>
    %reduce_sum3A_175 = vector.multi_reduction <add>, %mul3A_173, %reduce_sum3A_174 [0] : vector<64x512xf32> to vector<512xf32>
    %broadcast_in_dim3A_176 = vector.shape_cast %reduce_sum3A_175 : vector<512xf32> to vector<1x512xf32>
    %sqrt3A_177 = math.sqrt %broadcast_in_dim3A_176 : vector<1x512xf32>
    %max3A_178 = arith.constant 9.99999996E-13 : f32
    %max3A_179 = vector.broadcast %max3A_178 : f32 to vector<1x512xf32>
    %max3A_180 = arith.maximumf %sqrt3A_177, %max3A_179 : vector<1x512xf32>
    %div3A_181 = vector.broadcast %max3A_180 : vector<1x512xf32> to vector<64x512xf32>
    %div3A_182 = arith.divf %add3A_172, %div3A_181 : vector<64x512xf32>
    %swap3A = arith.constant 0 : index
    %swap3A_183 = arith.constant 0 : index
    %swap3A_184 = vector.load %arg13[%swap3A, %swap3A_183] : memref<64x512xf32, #tpu.memory_space<vmem>>, vector<64x512xf32>
    tpu.vector_store %arg13[%swap3A, %swap3A_183], %div3A_182 {strides = array<i32>} : memref<64x512xf32, #tpu.memory_space<vmem>>, vector<64x512xf32>,
    return
  }
  func.func @transform_0(%arg0: i32) -> (i32, i32) {
    %c0_i32 = arith.constant 0 : i32
    %c0_i32_0 = arith.constant 0 : i32
    return %c0_i32, %arg0 : i32, i32
  }
  func.func @transform_1(%arg0: i32) -> (i32, i32) {
    %c0_i32 = arith.constant 0 : i32
    %c0_i32_0 = arith.constant 0 : i32
    return %c0_i32, %arg0 : i32, i32
  }
  func.func @transform_2(%arg0: i32) -> (i32, i32) {
    %c0_i32 = arith.constant 0 : i32
    %c0_i32_0 = arith.constant 0 : i32
    return %c0_i32, %arg0 : i32, i32
  }
  func.func @transform_3(%arg0: i32) -> (i32, i32) {
    %c0_i32 = arith.constant 0 : i32
    %c0_i32_0 = arith.constant 0 : i32
    %c0_i32_1 = arith.constant 0 : i32
    return %c0_i32, %c0_i32_0 : i32, i32
  }
  func.func @transform_4(%arg0: i32) -> (i32, i32) {
    %c0_i32 = arith.constant 0 : i32
    %c0_i32_0 = arith.constant 0 : i32
    %c0_i32_1 = arith.constant 0 : i32
    return %c0_i32, %c0_i32_0 : i32, i32
  }
  func.func @transform_5(%arg0: i32) -> (i32, i32) {
    %c0_i32 = arith.constant 0 : i32
    %c0_i32_0 = arith.constant 0 : i32
    %c0_i32_1 = arith.constant 0 : i32
    return %c0_i32, %c0_i32_0 : i32, i32
  }
  func.func @transform_6(%arg0: i32) -> (i32, i32) {
    %c0_i32 = arith.constant 0 : i32
    %c0_i32_0 = arith.constant 0 : i32
    %c0_i32_1 = arith.constant 0 : i32
    return %c0_i32, %c0_i32_0 : i32, i32
  }
  func.func @transform_7(%arg0: i32) -> (i32, i32) {
    %c0_i32 = arith.constant 0 : i32
    %c0_i32_0 = arith.constant 0 : i32
    %c0_i32_1 = arith.constant 0 : i32
    return %c0_i32, %c0_i32_0 : i32, i32
  }
  func.func @transform_8(%arg0: i32) -> (i32, i32) {
    %c0_i32 = arith.constant 0 : i32
    %c0_i32_0 = arith.constant 0 : i32
    %c0_i32_1 = arith.constant 0 : i32
    return %c0_i32, %c0_i32_0 : i32, i32
  }
  func.func @transform_9(%arg0: i32) -> (i32, i32) {
    %c0_i32 = arith.constant 0 : i32
    %c0_i32_0 = arith.constant 0 : i32
    %c0_i32_1 = arith.constant 0 : i32
    return %c0_i32, %c0_i32_0 : i32, i32
  }
  func.func @transform_10(%arg0: i32) -> (i32, i32) {
    %c0_i32 = arith.constant 0 : i32
    %c0_i32_0 = arith.constant 0 : i32
    %c0_i32_1 = arith.constant 0 : i32
    return %c0_i32, %c0_i32_0 : i32, i32
  }
  func.func @transform_11(%arg0: i32) -> (i32, i32) {
    %c0_i32 = arith.constant 0 : i32
    %c0_i32_0 = arith.constant 0 : i32
    %c0_i32_1 = arith.constant 0 : i32
    return %c0_i32, %c0_i32_0 : i32, i32
  }
  func.func @transform_12(%arg0: i32) -> (i32, i32) {
    %c0_i32 = arith.constant 0 : i32
    %c0_i32_0 = arith.constant 0 : i32
    return %c0_i32, %arg0 : i32, i32
  }
}

</mosaic_0001>

<sc_bundles>
// kernel: kernel.4.cloned.1.call-start
scs
__scs_entry_jumppad:
0x0: {  	(pc) =	sbr.rel $0x88, $3  }
0x1: {  	(tag) =	ssettag $0x0;
	lr =	simm.s32 $0x1  }
0x2: {  	[smem:$0x3F92] =	sst lr;
	_ =	strace $0xD0000000  }
0x3: {  	_ = 	snop  }
0x4: {  	_ = 	snop  }
0x5: {  	_ = 	snop  }
0x6: {  	_ = 	snop  }
0x7: {  	_ = 	snop  }
__scs_overlays_trampoline_lowered:
0x8: {  	[smem:$0x3FA1] =	sst s0  }
0x9: {  	[smem:$0x3FA2] =	sst s1  }
0xa: {  	[smem:$0x3FA3] =	sst s2  }
0xb: {  	[smem:$0x3FA4] =	sst s3  }
0xc: {  	[smem:$0x3FA5] =	sst s4  }
0xd: {  	[smem:$0x3FA6] =	sst s5  }
0xe: {  	[smem:$0x3FA7] =	sst s6  }
0xf: {  	[smem:$0x3FA8] =	sst s7  }
0x10: {  	[smem:$0x3FA9] =	sst s8  }
0x11: {  	[smem:$0x3FAA] =	sst s9;
	s0 =	simm.s32 @!p0 $0x0  }
0x12: {  	s1 =	sld [smem:$0x3F90];
	s0 =	simm.s32 @p0 $0x1  }
0x13: {  	[smem:$0x3FAB] =	sst s0;
	s0 =	simm.s32 @!p1 $0x0  }
0x14: {  	s2 =	sld [smem:$0x3F8F];
	s0 =	simm.s32 @p1 $0x1  }
0x15: {  	[smem:$0x3FAC] =	sst s0;
	s0 =	simm.s32 @!p2 $0x0  }
0x16: {  	s3 =	sld [smem:$0x3FDB];
	s0 =	simm.s32 @p2 $0x1  }
0x17: {  	s4 =	simm.s32 $0x1BF5;
	[smem:$0x3FAE] =	sst s0  }
0x18: {  	s0 =	sld [smem:$0x3F91];
	_ =	swait.ge [sflag:s4], $0x0  }
0x19: {  	s7 =	sld [smem:$0x3F92]  }
0x1a: {  	s8 =	sadd.s32 $0xFFFFE003, lr  }
0x1b: {  	s9 =	sadd.s32 $0xFFFFFEF7, lr;
	s5 =	simm.s32 $0xFFFFFFFF;
	p2 =	slt.u32 s8, $0xFFFFF086  }
0x1c: {  	p1 =	slt.u32 s9, $0xF7A;
	s5 =	simm.s32 @!p2 $0x0  }
0x1d: {  	s5 =	simm.s32 @p1 $0x1;
	p0 =	seq.s32 s7, s2  }
0x1e: {  	s7 =	smul.u32 @!p0 $0xF7A, s2;
	p2 =	seq.s32 @!p0 s5, $0x0  }
0x1f: {  	s9 =	smul.u32 $0xF7A, s1;
	s8 =	simm.s32 @!p0 $0x1BF5;
	p2 =	por !p2, p0  }
0x20: {  	[sflag:s8] =	ssyncset.s32 @!p0 $0xFFFFF086;
	s6 =	sadd.s32 @!p0 s3, s7;
	s7 =	simm.s32 @!p0 $0x108  }
0x21: {  	s3 =	sadd.s32 s3, s9;
	s6 =	sadd.s32 @!p0 $0x88, s6;
	s7 =	simm.s32 @p2 $0x1082  }
0x22: {  	[simem:s7], [sflag:s8] =	dma.local @!p0 [hbm:s6], $0xF7A  }
0x23: {  	s9 =	sor.u32 $0xD0000000, s2;
	s6 =	simm.s32 $0x108;
	_ =	swait.ge @!p0 [sflag:s8], $0x0  }
0x24: {  	s3 =	sadd.s32 $0x88, s3;
	s6 =	simm.s32 @!p1 $0x1082;
	[sflag:s4] =	ssyncset.s32 $0xFFFFF086  }
0x25: {  	[simem:s6], [sflag:s4] =	dma.local [hbm:s3], $0xF7A  }
0x26: {  	[smem:$0x3F92] =	sst s1;
	(tag) =	ssettag s2;
	_ =	strace s9  }
0x27: {  	s1 =	sld [smem:$0x3FA2]  }
0x28: {  	s2 =	sld [smem:$0x3FA3]  }
0x29: {  	s4 =	sld [smem:$0x3FA5]  }
0x2a: {  	p0 =	seq.s32 s5, $0x0;
	s5 =	sld [smem:$0x3FA6]  }
0x2b: {  	s6 =	sld [smem:$0x3FA7]  }
0x2c: {  	s7 =	sld [smem:$0x3FA8]  }
0x2d: {  	s3 =	simm.s32 $0x108;
	s8 =	sld [smem:$0x3FA9]  }
0x2e: {  	s3 =	simm.s32 @!p0 $0x1082;
	s9 =	sld [smem:$0x3FAA]  }
0x2f: {  	lr =	sadd.s32 s0, s3;
	s0 =	sld [smem:$0x3FA1]  }
0x30: {  	s3 =	sld [smem:$0x3FA4]  }
0x31: {  	[smem:$0x3FAD] =	sst s10  }
0x32: {  	s10 =	sld [smem:$0x3FAB];
	_ =	sdelay $0x3  }
0x33: {  	p0 =	seq.s32 s10, $0x1;
	s10 =	sld [smem:$0x3FAD];
	_ =	sdelay $0x3  }
0x34: {  	[smem:$0x3FAD] =	sst s10  }
0x35: {  	s10 =	sld [smem:$0x3FAC];
	_ =	sdelay $0x3  }
0x36: {  	p1 =	seq.s32 s10, $0x1;
	s10 =	sld [smem:$0x3FAD];
	_ =	sdelay $0x3  }
0x37: {  	[smem:$0x3FAD] =	sst s10  }
0x38: {  	s10 =	sld [smem:$0x3FAE]  }
0x39: {  	_ = 	snop;
	(pc) =	sbr.ind lr, $3  }
0x3a: {  	_ = 	snop  }
0x3b: {  	_ = 	snop  }
0x3c: {  	p2 =	seq.s32 s10, $0x1;
	s10 =	sld [smem:$0x3FAD]  }
0x3d: {  	_ =	shalt  }
0x3e: {  	_ =	shalt  }
0x3f: {  	_ =	shalt  }
0x40: {  	_ =	shalt  }
0x41: {  	_ =	shalt  }
0x42: {  	_ =	shalt  }
0x43: {  	_ =	shalt  }
0x44: {  	_ =	shalt  }
0x45: {  	_ =	shalt  }
0x46: {  	_ =	shalt  }
0x47: {  	_ =	shalt  }
0x48: {  	_ =	shalt  }
0x49: {  	_ =	shalt  }
0x4a: {  	_ =	shalt  }
0x4b: {  	_ =	shalt  }
0x4c: {  	_ =	shalt  }
0x4d: {  	_ =	shalt  }
0x4e: {  	_ =	shalt  }
0x4f: {  	_ =	shalt  }
0x50: {  	_ =	shalt  }
0x51: {  	_ =	shalt  }
0x52: {  	_ =	shalt  }
0x53: {  	_ =	shalt  }
0x54: {  	_ =	shalt  }
0x55: {  	_ =	shalt  }
0x56: {  	_ =	shalt  }
0x57: {  	_ =	shalt  }
0x58: {  	_ =	shalt  }
0x59: {  	_ =	shalt  }
0x5a: {  	_ =	shalt  }
0x5b: {  	_ =	shalt  }
0x5c: {  	_ =	shalt  }
0x5d: {  	_ =	shalt  }
0x5e: {  	_ =	shalt  }
0x5f: {  	_ =	shalt  }
0x60: {  	_ =	shalt  }
0x61: {  	_ =	shalt  }
0x62: {  	_ =	shalt  }
0x63: {  	_ =	shalt  }
0x64: {  	_ =	shalt  }
0x65: {  	_ =	shalt  }
0x66: {  	_ =	shalt  }
0x67: {  	_ =	shalt  }
0x68: {  	_ =	shalt  }
0x69: {  	_ =	shalt  }
0x6a: {  	_ =	shalt  }
0x6b: {  	_ =	shalt  }
0x6c: {  	_ =	shalt  }
0x6d: {  	_ =	shalt  }
0x6e: {  	_ =	shalt  }
0x6f: {  	_ =	shalt  }
0x70: {  	_ =	shalt  }
0x71: {  	_ =	shalt  }
0x72: {  	_ =	shalt  }
0x73: {  	_ =	shalt  }
0x74: {  	_ =	shalt  }
0x75: {  	_ =	shalt  }
0x76: {  	_ =	shalt  }
0x77: {  	_ =	shalt  }
0x78: {  	_ =	shalt  }
0x79: {  	_ =	shalt  }
0x7a: {  	_ =	shalt  }
0x7b: {  	_ =	shalt  }
0x7c: {  	_ =	shalt  }
0x7d: {  	_ =	shalt  }
0x7e: {  	_ =	shalt  }
0x7f: {  	_ =	shalt  }
0x80: {  	_ =	shalt  }
0x81: {  	_ =	shalt  }
0x82: {  	_ =	shalt  }
0x83: {  	_ =	shalt  }
0x84: {  	_ =	shalt  }
0x85: {  	_ =	shalt  }
0x86: {  	_ =	shalt  }
0x87: {  	_ =	shalt  }
.Lfunc_end0:
.L_simem_size_0:
called_computation_lowered:
.L_overlay_start_0:
0x88: {  	s2 =	sld [smem:$0x3FD9]  }
0x89: {  	s3 =	sld [smem:$0x3FFE];
	_ =	sdelay $0x1  }
0x8a: {  	s1 =	srdreg.scid  }
0x8b: {  	s0 =	sand.u32 $0x1, s1  }
0x8c: {  	s17 =	sshll.u32 s0, $0xA;
	s2 =	sadd.s32 s3, s2  }
0x8d: {  	s2 =	sadd.s32 s2, s17  }
0x8e: {  	[smem:$0x3FB9] =	sst s2  }
0x8f: {  	_ = 	snop  }
0x90: {  	s2 =	sld [smem:$0x3FC9]  }
0x91: {  	s18 =	sld [smem:$0x3FD0];
	(tm) =	ssettm $0x1  }
0x92: {  	s4 =	sld [smem:$0x3FFB];
	_ =	sdelay $0x3  }
0x93: {  	_ =	strace s4  }
0x94: {  	s4 =	sld [smem:$0x3FFC];
	_ =	sdelay $0x3  }
0x95: {  	_ =	strace s4  }
0x96: {  	s4 =	sld [smem:$0x3FFD];
	_ =	sdelay $0x3  }
0x97: {  	_ =	strace s4  }
0x98: {  	_ =	strace $0x8FFFFFFF  }
0x99: {  	s19 =	sld [smem:$0x3FDB];
	_ =	sdelay $0x1  }
0x9a: {  	s5 =	simm.s32 $_scs_section_size  }
0x9b: {  	s6 =	simm.s32 $_size__tile_overlayer_lowered;
	s7 =	simm.s32 $_tile_overlayer_lowered  }
0x9c: {  	s22 =	simm.s32 $0x1BFF;
	s21 =	sshll.u32 s7, $0x1;
	s4 =	sadd.s32 s5, s19  }
0x9d: {  	s8 =	simm.s32 $0x0;
	s20 =	sshll.u32 s6, $0x1;
	s6 =	sadd.s32 s21, s4  }
0x9e: {  	[timem:s8], [sflag:s22] =	dma.local [hbm:s6], s20  }
0x9f: {  	_ =	swait.ge [sflag:s22], s20  }
0xa0: {  	s5 =	ssub.s32 $0x0, s20;
	[sflag:s22] =	ssyncset.done $0x0  }
0xa1: {  	[sflag:s22] =	ssyncadd.s32 s5;
	_ =	sdelay $0x1  }
0xa2: {  	s23 =	simm.s32 $0x1B8B  }
0xa3: {  	_ =	swait.ge [sflag:s23], $0x1  }
0xa4: {  	[sflag:s23] =	ssyncset.done $0x0  }
0xa5: {  	s25 =	simm.s32 $0x1B8E;
	s24 =	sld [smem:$0x3FFE];
	[sflag:s23] =	ssyncadd.s32 $0xFFFFFFFF  }
0xa6: {  	s26 =	simm.s32 $execute0_lowered;
	[smem:$0x3FD2] =	sst s25  }
0xa7: {  	s6 =	sshll.u32 s26, $0x1;
	_ =	strace $0x80000046;
	[dreg:$0x1] =	wrdreg $0xFFFFFFFF  }
0xa8: {  	s28 =	simm.s32 $_size_execute0_lowered;
	s4 =	sadd.s32 s4, s6;
	[dreg:$0x0] =	wrdreg $0x0  }
0xa9: {  	s6 =	sshll.u32 s28, $0x1;
	[dreg:$0x2] =	wrdreg s4  }
0xaa: {  	[dreg:$0x3] =	wrdreg s6  }
0xab: {  	[dreg:$0x4] =	wrdreg $0xC0  }
0xac: {  	_ =	task [dreg:s8], $0x5FFFF  }
0xad: {  	[dreg:$0x1] =	wrdreg $0xFFFFFFFF  }
0xae: {  	[dreg:$0x0] =	wrdreg $0x60  }
0xaf: {  	[dreg:$0x2] =	wrdreg s2  }
0xb0: {  	[dreg:$0x3] =	wrdreg s24  }
0xb1: {  	[dreg:$0x4] =	wrdreg s18  }
0xb2: {  	[dreg:$0x5] =	wrdreg $0x9  }
0xb3: {  	_ =	task.clear_ibuf [dreg:s8], $0x6FFFF;
	_ =	strace $0x90000046  }
0xb4: {  	s29 =	simm.s32 $0x9;
	_ =	strace $0x80000048  }
0xb5: {  	_ =	swait.ge [sflag:s29], $0x1  }
0xb6: {  	[sflag:s29] =	ssyncadd.s32 $0xFFFFFFFF  }
0xb7: {  	_ =	strace $0x90000048  }
0xb8: {  	_ =	sfence  }
0xb9: {  	s30 =	sld [smem:$0x0];
	_ =	sdelay $0x2  }
0xba: {  	s31 =	sshll.u32 s1, $0xD;
	s1 =	sshrl.u32 s1, $0x2  }
0xbb: {  	s3 =	sand.u32 $0x4000, s31;
	s1 =	sadd.s32 s1, s30  }
0xbc: {  	s0 =	sor.u32 s3, s0;
	s1 =	sshll.u32 s1, $0x11  }
0xbd: {  	s0 =	sor.u32 s1, s0  }
0xbe: {  	s0 =	sadd.s32 $0x8F2B, s0  }
0xbf: {  	[sflag:s0] =	ssyncadd.remote.s32 $0x1  }
0xc0: {  	_ =	sfence.sel $0xFFFF  }
0xc1: {  	[dreg:$0x0] =	wrdreg $0xFFFFFFFF;
	(pc) =	sbr.abs _section_cstart, $3  }
0xc2: {  	[dreg:$0x1] =	wrdreg $0xFFFFFFFF  }
0xc3: {  	_ =	task.clear_ibuf [dreg:s8], $0x2FFFF;
	_ =	strace $0x9FFFFFFF  }
0xc4: {  	(tm) =	ssettm $0x7FFFFFFF  }
0xc5: {  	_ =	shalt  }
tec
execute0_lowered:
.L_overlay_start_1:
0x0: {  	(tag) =	ssettag $0x1  }
0x1: {  	s2 =	rddreg [dreg:$0x0]  }
0x2: {  	s5 =	rddreg [dreg:$0x1]  }
0x3: {  	s10 =	rddreg [dreg:$0x2]  }
0x4: {  	s3 =	srdreg.scid;
	s0 =	rddreg [dreg:$0x3]  }
0x5: {  	s1 =	stileid.u32;
	s9 =	sand.u32 $0x1, s3;
	s3 =	simm.s32 $0x0  }
0x6: {  	s4 =	sshll.u32 s1, $0x2;
	s6 =	sshll.u32 s9, $0x1;
	[smem:$0x7FF] =	sst s3  }
0x7: {  	s11 =	sor.u32 s6, s4;
	_ =	strace $0x80000047;
	s4 =	simm.s32 $0x2  }
0x8: {  	[tilespmem:s3], [sflag:$0x2] =	stream.linear.gather [hbm4b:s2+s3], $0x1000, $0x38;
	[tilespmem:$0x2000] =	vst v63  }
0x9: {  	s6 =	smul.u32 $0x30D4, s11;
	_ =	swait.ge [sflag:s4], $0x1000  }
0xa: {  	s7 =	simm.s32 $0x1;
	s12 =	sadd.s32 $0x1E00, s5;
	[sflag:s4] =	ssyncset.done $0x0  }
0xb: {  	s5 =	sadd.s32 s12, s6;
	s6 =	simm.s32 $0x1000;
	[sflag:s4] =	ssyncadd.s32 $0xFFFFF000  }
0xc: {  	[tilespmem:s6], [sflag:$0x1] =	stream.indirect.gather [hbm4b:s5+s6], $0x1, s3, s6, $0xb8;
	[tilespmem:$0x2000] =	vst v63  }
0xd: {  	s14 =	ssub.s32 $0x2, s9;
	_ =	swait.ge [sflag:s7], $0x1000  }
0xe: {  	s8 =	sshll.u32 s11, $0x9;
	s11 =	sor.u32 $0x1, s11;
	[sflag:s7] =	ssyncset.done $0x0  }
0xf: {  	s8 =	sadd.s32 s10, s8;
	s13 =	smul.u32 $0x30D4, s11;
	[sflag:s7] =	ssyncadd.s32 $0xFFFFF000  }
0x10: {  	[hbm4b:s8+s3] =	stream.linear.scatter [tilespmem:s6], [sflag:$0x2], $0x1000, $0x38;
	[tilespmem:$0x2000] =	vst v63  }
0x11: {  	s30 =	sshrl.u32 s14, $0x1;
	_ =	swait.ge [sflag:s4], $0x1000  }
0x12: {  	s9 =	sadd.s32 s12, s13;
	s12 =	ssub.s32 s14, s30;
	[sflag:s4] =	ssyncset.done $0x0  }
0x13: {  	s31 =	smax.u32 s12, $0x1;
	[sflag:s4] =	ssyncadd.s32 $0xFFFFF000  }
0x14: {  	[tilespmem:s6], [sflag:$0x1] =	stream.indirect.gather [hbm4b:s9+s6], $0x1, s3, s6, $0xb8;
	[tilespmem:$0x2000] =	vst v63  }
0x15: {  	p0 =	sne.s32 s31, $0x1;
	_ =	swait.ge [sflag:s7], $0x1000  }
.Ltmp0:
0x16: {  	s11 =	sshll.u32 s11, $0x9;
	[sflag:s7] =	ssyncset.done $0x0;
	(pc) =	sbr.rel @!p0 .LBB2_2-.Ltmp0, $4  }
0x17: {  	s10 =	sadd.s32 s10, s11;
	[sflag:s7] =	ssyncadd.s32 $0xFFFFF000  }
0x18: {  	[hbm4b:s10+s3] =	stream.linear.scatter [tilespmem:s6], [sflag:$0x2], $0x1000, $0x38;
	[tilespmem:$0x2000] =	vst v63  }
0x19: {  	_ =	swait.ge [sflag:s4], $0x1000  }
0x1a: {  	s11 =	sadd.s32 $0xFFFFFFFF, s31;
	[sflag:s4] =	ssyncset.done $0x0  }
.LBB2_1:
0x1b: {  	p0 =	sne.s32 s11, $0x1;
	s11 =	sadd.s32 $0xFFFFFFFF, s11;
	[sflag:s4] =	ssyncadd.s32 $0xFFFFF000  }
0x1c: {  	[tilespmem:s3], [sflag:$0x2] =	stream.linear.gather [hbm4b:s2+s3], $0x1000, $0x38;
	[tilespmem:$0x2000] =	vst v63  }
0x1d: {  	_ =	swait.ge [sflag:s4], $0x1000  }
0x1e: {  	[sflag:s4] =	ssyncset.done $0x0  }
0x1f: {  	[sflag:s4] =	ssyncadd.s32 $0xFFFFF000  }
0x20: {  	[tilespmem:s6], [sflag:$0x1] =	stream.indirect.gather [hbm4b:s5+s6], $0x1, s3, s6, $0xb8;
	[tilespmem:$0x2000] =	vst v63  }
0x21: {  	_ =	swait.ge [sflag:s7], $0x1000  }
0x22: {  	[sflag:s7] =	ssyncset.done $0x0  }
0x23: {  	[sflag:s7] =	ssyncadd.s32 $0xFFFFF000  }
0x24: {  	[hbm4b:s8+s3] =	stream.linear.scatter [tilespmem:s6], [sflag:$0x2], $0x1000, $0x38;
	[tilespmem:$0x2000] =	vst v63  }
0x25: {  	_ =	swait.ge [sflag:s4], $0x1000  }
0x26: {  	[sflag:s4] =	ssyncset.done $0x0  }
0x27: {  	[sflag:s4] =	ssyncadd.s32 $0xFFFFF000  }
0x28: {  	[tilespmem:s6], [sflag:$0x1] =	stream.indirect.gather [hbm4b:s9+s6], $0x1, s3, s6, $0xb8;
	[tilespmem:$0x2000] =	vst v63  }
0x29: {  	_ =	swait.ge [sflag:s7], $0x1000  }
.Ltmp1:
0x2a: {  	[sflag:s7] =	ssyncset.done $0x0;
	(pc) =	sbr.rel @p0 .LBB2_1-.Ltmp1, $4  }
0x2b: {  	[sflag:s7] =	ssyncadd.s32 $0xFFFFF000  }
0x2c: {  	[hbm4b:s10+s3] =	stream.linear.scatter [tilespmem:s6], [sflag:$0x2], $0x1000, $0x38;
	[tilespmem:$0x2000] =	vst v63  }
0x2d: {  	_ =	swait.ge [sflag:s4], $0x1000  }
0x2e: {  	[sflag:s4] =	ssyncset.done $0x0  }
.LBB2_2:
0x2f: {  	[sflag:s4] =	ssyncadd.s32 $0xFFFFF000  }
0x30: {  	_ =	sfence.sel $0x180000  }
0x31: {  	[bflag:$0x0] =	sbarrier.arrive $0xFFFF  }
0x32: {  	p0 =	sne.s32 s1, $0x0;
	_ =	strace $0x90000047  }
0x33: {  	s0 =	sadd.s32 @!p0 $0x100000, s0;
	[bflag:$0x2] =	sbarrier.arrive $0xFFFF  }
0x34: {  	[sflag:s0] =	ssyncadd.tile.s32 @!p0 $0x1;
	_ =	shalt  }
.Lfunc_end2:
_tile_overlayer_lowered:
.L_overlay_start_2:
0x35: {  	(tag) =	ssettag $0x2  }
0x36: {  	s0 =	rddreg [dreg:$0x0];
	s2 =	stileid.u32  }
0x37: {  	s1 =	rddreg [dreg:$0x1];
	p0 =	sne.s32 s2, $0x0  }
0x38: {  	s3 =	rddreg [dreg:$0x2];
	[bflag:$0x3] =	sbarrier.arrive $0xFFFF;
	s2 =	simm.s32 @!p0 $0x1C02  }
0x39: {  	[timem:s3], [sflag:s2] =	dma.local @!p0 [hbm:s0], s1  }
0x3a: {  	s0 =	simm.s32 @!p0 $0x2  }
0x3b: {  	_ =	swait.ge @!p0 [sflag:s0], s1  }
0x3c: {  	s1 =	ssub.s32 @!p0 $0x0, s1;
	[sflag:s0] =	ssyncset.done @!p0 $0x0  }
0x3d: {  	[sflag:s0] =	ssyncadd.s32 @!p0 s1  }
0x3e: {  	[bflag:$0x3] =	sbarrier.arrive $0xFFFF  }
0x3f: {  	_ =	shalt  }

</sc_bundles>
